<compile_context>
chip_gen: v7x
topology: tpu7x:2x2x1
jax: 0.10.2.dev20260603
libtpu: 0.0.44.dev20260713+nightly
codegen_flags: <defaults>
</compile_context>

<pallas_src>
import functools

import jax
import jax.numpy as jnp
from jax import lax
from jax.experimental import pallas as pl
from jax.experimental.pallas import tpu as pltpu
from jax.experimental.pallas import tpu_sc as plsc

_NC = 2
_NS = 16
_NW = _NC * _NS
_L = 16


def _project_body(e_ref, wt_ref, b_ref, out_ref):
    r = (
        jax.lax.dot_general(
            wt_ref[:],
            e_ref[:],
            (((1,), (1,)), ((), ())),
            preferred_element_type=jnp.float32,
        )
        + b_ref[:]
    )
    out_ref[:] = r.reshape(-1)


def _project(node_embeddings, W, b):
    n = node_embeddings.shape[0]
    return pl.pallas_call(
        _project_body,
        out_shape=jax.ShapeDtypeStruct((n,), jnp.float32),
    )(node_embeddings, W.reshape(1, -1), b.reshape(1, 1))


@functools.lru_cache(maxsize=None)
def _make_gather(m, n):
    bpw = m // _NW
    unroll = 5
    grain = _L * unroll
    half = -(-(bpw // 2) // grain) * grain
    assert bpw % grain == 0 and half % grain == 0

    @functools.partial(
        pl.kernel,
        mesh=plsc.VectorSubcoreMesh(core_axis_name="c", subcore_axis_name="s"),
        out_type=jax.ShapeDtypeStruct((m,), jnp.float32),
        scratch_types=[
            pltpu.VMEM((bpw,), jnp.int32),
            pltpu.VMEM((n,), jnp.float32),
            pltpu.VMEM((bpw,), jnp.float32),
            pltpu.VMEM_SHARED((n,), jnp.float32),
            pltpu.SemaphoreType.DMA,
            pltpu.SemaphoreType.DMA,
        ],
        compiler_params=pltpu.CompilerParams(needs_layout_passes=False),
    )
    def gather_kernel(tab_hbm, idx_hbm, out_hbm, idx_v, tab_v, out_v, tab_sh, sem_a, sem_t):
        sid = lax.axis_index("s")
        wid = sid * _NC + lax.axis_index("c")
        base = wid * bpw
        cp_i = pltpu.async_copy(idx_hbm.at[pl.ds(base, bpw)], idx_v, sem_a)

        @pl.when(sid == 0)
        def _():
            pltpu.sync_copy(tab_hbm, tab_sh)

        plsc.subcore_barrier()
        cp_t = pltpu.async_copy(tab_sh, tab_v, sem_t)
        cp_i.wait()
        cp_t.wait()

        @plsc.parallel_loop(0, half, step=_L, unroll=unroll)
        def _gather_lo(off):
            iv = idx_v[pl.ds(off, _L)]
            out_v[pl.ds(off, _L)] = plsc.load_gather(tab_v, [iv])

        cp_o = pltpu.async_copy(
            out_v.at[pl.ds(0, half)], out_hbm.at[pl.ds(base, half)], sem_a
        )

        @plsc.parallel_loop(half, bpw, step=_L, unroll=unroll)
        def _gather_hi(off):
            iv = idx_v[pl.ds(off, _L)]
            out_v[pl.ds(off, _L)] = plsc.load_gather(tab_v, [iv])

        pltpu.sync_copy(
            out_v.at[pl.ds(half, bpw - half)],
            out_hbm.at[pl.ds(base + half, bpw - half)],
        )
        cp_o.wait()

    return gather_kernel


def kernel(node_embeddings, object_indices, object_sizes, W, b):
    del object_sizes
    m = object_indices.shape[0]
    n = node_embeddings.shape[0]
    p = _project(node_embeddings, W, b)
    idx = object_indices.astype(jnp.int32)
    return _make_gather(m, n)(p, idx)

# --- scband reference (transcript-rebuilt; emitter-appended) ---
"""Pipeline reference for scband-objects-scalar-decoder-80092550135823 (READ-ONLY COPY).

The authoritative reference and input builder live on the scoring server;
editing this copy changes nothing except your own understanding.
"""

import jax, jax.numpy as jnp
import numpy as np

N_NODES = 10000
D = 128
M = 320000

def setup_inputs(seed: int = 0) -> dict:
    key = jax.random.key(seed)
    k1, k2, k3, k4 = jax.random.split(key, 4)
    node_embeddings = jax.random.normal(k1, (N_NODES, D), dtype=jnp.float32)
    object_indices = jax.random.randint(k2, (M,), 0, N_NODES, dtype=jnp.int64)
    # each object is its own segment (sizes of ones, sum == M)
    object_sizes = jnp.ones((M,), dtype=jnp.int64)
    # SumReadout(embedding_size, 1): linear projection applied after per-segment sum
    W = jax.random.normal(k3, (D, 1), dtype=jnp.float32) / jnp.sqrt(D)
    b = jnp.zeros((1,), dtype=jnp.float32)
    return {"node_embeddings": node_embeddings, "object_indices": object_indices, "object_sizes": object_sizes, "W": W, "b": b}


def reference(node_embeddings, object_indices, object_sizes, W, b):
    # gather object embeddings (index_select over dim 0)
    obj = jnp.take(node_embeddings, object_indices, axis=0)
    # build segment ids from per-segment sizes, then segment-sum
    num_segments = object_sizes.shape[0]
    segment_ids = jnp.repeat(jnp.arange(num_segments), object_sizes, total_repeat_length=obj.shape[0])
    summed = jax.ops.segment_sum(obj, segment_ids, num_segments=num_segments)
    # readout linear to scalar, flatten like .view(-1)
    out = summed @ W + b
    return out.reshape(-1)

if __name__ == "__main__":
    import jax
    _d = setup_inputs()
    print(jax.jit(kernel)(*tuple(_d.values())))

</pallas_src>

<mosaic_0001>
#map = affine_map<(d0, d1) -> (0)>
module attributes {stable_mosaic.version = 14 : i64} {
  func.func @gather_kernel(%arg0: i32, %arg1: i32, %arg2: memref<10000xf32, #tpu.memory_space<hbm>>, %arg3: memref<320000xi32, #tpu.memory_space<hbm>>, %arg4: memref<320000xf32, #tpu.memory_space<hbm>>, %arg5: memref<10000xi32, #tpu.memory_space<vmem>>, %arg6: memref<10000xf32, #tpu.memory_space<vmem>>, %arg7: memref<10000xf32, #tpu.memory_space<vmem>>, %arg8: memref<10000xf32, #tpu.memory_space<vmem_shared>>, %arg9: memref<!tpu.dma_semaphore, #tpu.memory_space<semaphore_mem>>, %arg10: memref<!tpu.dma_semaphore, #tpu.memory_space<semaphore_mem>>) attributes {dimension_semantics = [#tpu.dimension_semantics<core_parallel>, #tpu.dimension_semantics<subcore_parallel>], iteration_bounds = array<i64: 2, 16>, scalar_prefetch = 0 : i64, scratch_operands = 6 : i64, tpu.core_type = #tpu.core_type<sc_vector_subcore>, window_params = [{transform_indices = #map}, {transform_indices = #map}, {transform_indices = #map}]} {
    %mul3A = arith.constant 2 : i32
    %mul3A_0 = arith.muli %arg1, %mul3A : i32
    %add3A = arith.addi %mul3A_0, %arg0 : i32
    %mul3A_1 = arith.constant 10000 : i32
    %mul3A_2 = arith.muli %add3A, %mul3A_1 : i32
    %dma_start3A = tpu.memref_slice %arg3[%mul3A_2] : memref<320000xi32, #tpu.memory_space<hbm>> -> memref<10000xi32, #tpu.memory_space<hbm>>
    %dma_start3A_3 = tpu.memref_slice %arg3[%mul3A_2] : memref<320000xi32, #tpu.memory_space<hbm>> -> memref<10000xi32, #tpu.memory_space<hbm>>
    tpu.enqueue_dma source(%dma_start3A_3 : memref<10000xi32, #tpu.memory_space<hbm>>) target(%arg5 : memref<10000xi32, #tpu.memory_space<vmem>>) target_semaphore(%arg9 : memref<!tpu.dma_semaphore, #tpu.memory_space<semaphore_mem>>)
    %eq3A = arith.constant 0 : i32
    %eq3A_4 = arith.cmpi eq, %arg1, %eq3A : i32
    %convert_element_type3A = arith.extui %eq3A_4 : i1 to i32
    %cond3A = arith.constant 0 : i32
    %cond3A_5 = arith.cmpi ne, %convert_element_type3A, %cond3A : i32
    scf.if %cond3A_5 {
      "tpu.region"() ({
        %run_scoped3A = tpu.sem_alloc : memref<!tpu.dma_semaphore, #tpu.memory_space<semaphore_mem>>
        tpu.enqueue_dma source(%arg2 : memref<10000xf32, #tpu.memory_space<hbm>>) target(%arg8 : memref<10000xf32, #tpu.memory_space<vmem_shared>>) target_semaphore(%run_scoped3A : memref<!tpu.dma_semaphore, #tpu.memory_space<semaphore_mem>>)
        tpu.wait_dma2 semaphore(%run_scoped3A : memref<!tpu.dma_semaphore, #tpu.memory_space<semaphore_mem>>) src(%arg2 : memref<10000xf32, #tpu.memory_space<hbm>>) dst(%arg8 : memref<10000xf32, #tpu.memory_space<vmem_shared>>)
        tpu.yield
      }) : () -> ()
    } else {
    }
    %barrier3A = arith.constant 0 : index
    tpu.barrier barrier_id(%barrier3A)
    tpu.enqueue_dma source(%arg8 : memref<10000xf32, #tpu.memory_space<vmem_shared>>) target(%arg6 : memref<10000xf32, #tpu.memory_space<vmem>>) target_semaphore(%arg10 : memref<!tpu.dma_semaphore, #tpu.memory_space<semaphore_mem>>)
    %dma_wait3A = tpu.memref_slice %arg3[%mul3A_2] : memref<320000xi32, #tpu.memory_space<hbm>> -> memref<10000xi32, #tpu.memory_space<hbm>>
    %dma_wait3A_6 = tpu.memref_slice %arg3[%mul3A_2] : memref<320000xi32, #tpu.memory_space<hbm>> -> memref<10000xi32, #tpu.memory_space<hbm>>
    tpu.wait_dma2 semaphore(%arg9 : memref<!tpu.dma_semaphore, #tpu.memory_space<semaphore_mem>>) src(%dma_wait3A_6 : memref<10000xi32, #tpu.memory_space<hbm>>) dst(%arg5 : memref<10000xi32, #tpu.memory_space<vmem>>)
    tpu.wait_dma2 semaphore(%arg10 : memref<!tpu.dma_semaphore, #tpu.memory_space<semaphore_mem>>) src(%arg8 : memref<10000xf32, #tpu.memory_space<vmem_shared>>) dst(%arg6 : memref<10000xf32, #tpu.memory_space<vmem>>)
    %parallel_loop3A = arith.constant 0 : i32
    %parallel_loop3A_7 = arith.constant 5040 : i32
    %parallel_loop3A_8 = arith.constant 16 : i32
    scf.for %parallel_loop3A_26 = %parallel_loop3A to %parallel_loop3A_7 step %parallel_loop3A_8  : i32 {
      %parallel_loop3A_27 = arith.index_cast %parallel_loop3A_26 : i32 to index
      %parallel_loop3A_28 = tpu.vector_load %arg5[%parallel_loop3A_27] {strides = array<i32>} : memref<10000xi32, #tpu.memory_space<vmem>>, vector<16xi32>,
      %parallel_loop3A_29 = tpu.vector_load_idx %arg6[%parallel_loop3A_28] : memref<10000xf32, #tpu.memory_space<vmem>>[vector<16xi32>], vector<16xf32>,
      %parallel_loop3A_30 = arith.index_cast %parallel_loop3A_26 : i32 to index
      %parallel_loop3A_31 = tpu.vector_load %arg7[%parallel_loop3A_30] {strides = array<i32>} : memref<10000xf32, #tpu.memory_space<vmem>>, vector<16xf32>,
      tpu.vector_store %arg7[%parallel_loop3A_30], %parallel_loop3A_29 {strides = array<i32>} : memref<10000xf32, #tpu.memory_space<vmem>>, vector<16xf32>,
    } {sc.loop_unroll_factor = 5 : i64, sc.parallel_access}
    %dma_start3A_9 = arith.constant 0 : i32
    %dma_start3A_10 = tpu.memref_slice %arg7[%dma_start3A_9] : memref<10000xf32, #tpu.memory_space<vmem>> -> memref<5040xf32, #tpu.memory_space<vmem>>
    %dma_start3A_11 = tpu.memref_slice %arg4[%mul3A_2] : memref<320000xf32, #tpu.memory_space<hbm>> -> memref<5040xf32, #tpu.memory_space<hbm>>
    %dma_start3A_12 = tpu.memref_slice %arg4[%mul3A_2] : memref<320000xf32, #tpu.memory_space<hbm>> -> memref<5040xf32, #tpu.memory_space<hbm>>
    %dma_start3A_13 = arith.constant 0 : i32
    %dma_start3A_14 = tpu.memref_slice %arg7[%dma_start3A_13] : memref<10000xf32, #tpu.memory_space<vmem>> -> memref<5040xf32, #tpu.memory_space<vmem>>
    tpu.enqueue_dma source(%dma_start3A_14 : memref<5040xf32, #tpu.memory_space<vmem>>) target(%dma_start3A_12 : memref<5040xf32, #tpu.memory_space<hbm>>) target_semaphore(%arg9 : memref<!tpu.dma_semaphore, #tpu.memory_space<semaphore_mem>>)
    %parallel_loop3A_15 = arith.constant 5040 : i32
    %parallel_loop3A_16 = arith.constant 10000 : i32
    %parallel_loop3A_17 = arith.constant 16 : i32
    scf.for %parallel_loop3A_26 = %parallel_loop3A_15 to %parallel_loop3A_16 step %parallel_loop3A_17  : i32 {
      %parallel_loop3A_27 = arith.index_cast %parallel_loop3A_26 : i32 to index
      %parallel_loop3A_28 = tpu.vector_load %arg5[%parallel_loop3A_27] {strides = array<i32>} : memref<10000xi32, #tpu.memory_space<vmem>>, vector<16xi32>,
      %parallel_loop3A_29 = tpu.vector_load_idx %arg6[%parallel_loop3A_28] : memref<10000xf32, #tpu.memory_space<vmem>>[vector<16xi32>], vector<16xf32>,
      %parallel_loop3A_30 = arith.index_cast %parallel_loop3A_26 : i32 to index
      %parallel_loop3A_31 = tpu.vector_load %arg7[%parallel_loop3A_30] {strides = array<i32>} : memref<10000xf32, #tpu.memory_space<vmem>>, vector<16xf32>,
      tpu.vector_store %arg7[%parallel_loop3A_30], %parallel_loop3A_29 {strides = array<i32>} : memref<10000xf32, #tpu.memory_space<vmem>>, vector<16xf32>,
    } {sc.loop_unroll_factor = 5 : i64, sc.parallel_access}
    %add3A_18 = arith.constant 5040 : i32
    %add3A_19 = arith.addi %mul3A_2, %add3A_18 : i32
    "tpu.region"() ({
      %run_scoped3A = tpu.sem_alloc : memref<!tpu.dma_semaphore, #tpu.memory_space<semaphore_mem>>
      %dma_start3A_26 = arith.constant 5040 : i32
      %dma_start3A_27 = tpu.memref_slice %arg7[%dma_start3A_26] : memref<10000xf32, #tpu.memory_space<vmem>> -> memref<4960xf32, #tpu.memory_space<vmem>>
      %dma_start3A_28 = tpu.memref_slice %arg4[%add3A_19] : memref<320000xf32, #tpu.memory_space<hbm>> -> memref<4960xf32, #tpu.memory_space<hbm>>
      %dma_start3A_29 = tpu.memref_slice %arg4[%add3A_19] : memref<320000xf32, #tpu.memory_space<hbm>> -> memref<4960xf32, #tpu.memory_space<hbm>>
      %dma_start3A_30 = arith.constant 5040 : i32
      %dma_start3A_31 = tpu.memref_slice %arg7[%dma_start3A_30] : memref<10000xf32, #tpu.memory_space<vmem>> -> memref<4960xf32, #tpu.memory_space<vmem>>
      tpu.enqueue_dma source(%dma_start3A_31 : memref<4960xf32, #tpu.memory_space<vmem>>) target(%dma_start3A_29 : memref<4960xf32, #tpu.memory_space<hbm>>) target_semaphore(%run_scoped3A : memref<!tpu.dma_semaphore, #tpu.memory_space<semaphore_mem>>)
      %dma_wait3A_32 = arith.constant 5040 : i32
      %dma_wait3A_33 = tpu.memref_slice %arg7[%dma_wait3A_32] : memref<10000xf32, #tpu.memory_space<vmem>> -> memref<4960xf32, #tpu.memory_space<vmem>>
      %dma_wait3A_34 = tpu.memref_slice %arg4[%add3A_19] : memref<320000xf32, #tpu.memory_space<hbm>> -> memref<4960xf32, #tpu.memory_space<hbm>>
      %dma_wait3A_35 = tpu.memref_slice %arg4[%add3A_19] : memref<320000xf32, #tpu.memory_space<hbm>> -> memref<4960xf32, #tpu.memory_space<hbm>>
      %dma_wait3A_36 = arith.constant 5040 : i32
      %dma_wait3A_37 = tpu.memref_slice %arg7[%dma_wait3A_36] : memref<10000xf32, #tpu.memory_space<vmem>> -> memref<4960xf32, #tpu.memory_space<vmem>>
      tpu.wait_dma2 semaphore(%run_scoped3A : memref<!tpu.dma_semaphore, #tpu.memory_space<semaphore_mem>>) src(%dma_wait3A_37 : memref<4960xf32, #tpu.memory_space<vmem>>) dst(%dma_wait3A_35 : memref<4960xf32, #tpu.memory_space<hbm>>)
      tpu.yield
    }) : () -> ()
    %dma_wait3A_20 = arith.constant 0 : i32
    %dma_wait3A_21 = tpu.memref_slice %arg7[%dma_wait3A_20] : memref<10000xf32, #tpu.memory_space<vmem>> -> memref<5040xf32, #tpu.memory_space<vmem>>
    %dma_wait3A_22 = tpu.memref_slice %arg4[%mul3A_2] : memref<320000xf32, #tpu.memory_space<hbm>> -> memref<5040xf32, #tpu.memory_space<hbm>>
    %dma_wait3A_23 = tpu.memref_slice %arg4[%mul3A_2] : memref<320000xf32, #tpu.memory_space<hbm>> -> memref<5040xf32, #tpu.memory_space<hbm>>
    %dma_wait3A_24 = arith.constant 0 : i32
    %dma_wait3A_25 = tpu.memref_slice %arg7[%dma_wait3A_24] : memref<10000xf32, #tpu.memory_space<vmem>> -> memref<5040xf32, #tpu.memory_space<vmem>>
    tpu.wait_dma2 semaphore(%arg9 : memref<!tpu.dma_semaphore, #tpu.memory_space<semaphore_mem>>) src(%dma_wait3A_25 : memref<5040xf32, #tpu.memory_space<vmem>>) dst(%dma_wait3A_23 : memref<5040xf32, #tpu.memory_space<hbm>>)
    return
  }
}

module attributes {stable_mosaic.version = 14 : i64} {
  func.func @_project_body(%arg0: memref<10000x128xf32, #tpu.memory_space<vmem>>, %arg1: memref<1x128xf32, #tpu.memory_space<vmem>>, %arg2: memref<1x1xf32, #tpu.memory_space<vmem>>, %arg3: memref<10000xf32, #tpu.memory_space<vmem>>) attributes {dimension_semantics = [], scalar_prefetch = 0 : i64, scratch_operands = 0 : i64, tpu.core_type = #tpu.core_type<tc>} {
    %get3A = arith.constant 0 : index
    %get3A_0 = arith.constant 0 : index
    %get3A_1 = vector.load %arg1[%get3A, %get3A_0] : memref<1x128xf32, #tpu.memory_space<vmem>>, vector<1x128xf32>
    %get3A_2 = arith.constant 0 : index
    %get3A_3 = arith.constant 0 : index
    %get3A_4 = vector.load %arg0[%get3A_2, %get3A_3] : memref<10000x128xf32, #tpu.memory_space<vmem>>, vector<10000x128xf32>
    %dot_general3A = arith.constant dense<0.000000e+00> : vector<1x10000xf32>
    %dot_general3A_5 = tpu.matmul %get3A_1, %get3A_4, %dot_general3A {dimension_numbers = #tpu.dot_dimension_numbers<[1], [1], [0], [0], [0, 0, 1, 0], [], []>, transpose_lhs_hint = false} : vector<1x128xf32>, vector<10000x128xf32>, vector<1x10000xf32> -> vector<1x10000xf32>
    %get3A_6 = arith.constant 0 : index
    %get3A_7 = arith.constant 0 : index
    %get3A_8 = vector.load %arg2[%get3A_6, %get3A_7] : memref<1x1xf32, #tpu.memory_space<vmem>>, vector<1x1xf32>
    %add3A = vector.broadcast %get3A_8 : vector<1x1xf32> to vector<1x10000xf32>
    %add3A_9 = arith.addf %dot_general3A_5, %add3A : vector<1x10000xf32>
    %reshape3A = vector.shape_cast %add3A_9 : vector<1x10000xf32> to vector<10000xf32>
    %swap3A = arith.constant 0 : index
    %swap3A_10 = vector.load %arg3[%swap3A] : memref<10000xf32, #tpu.memory_space<vmem>>, vector<10000xf32>
    tpu.vector_store %arg3[%swap3A], %reshape3A {strides = array<i32>} : memref<10000xf32, #tpu.memory_space<vmem>>, vector<10000xf32>,
    return
  }
}

</mosaic_0001>

<sc_bundles>
// kernel: kernel.4.cloned.1.call-start
scs
__scs_entry_jumppad:
0x0: {  	(pc) =	sbr.rel $0x88, $3  }
0x1: {  	(tag) =	ssettag $0x0;
	lr =	simm.s32 $0x1  }
0x2: {  	[smem:$0x3F9D] =	sst lr;
	_ =	strace $0xD0000000  }
0x3: {  	_ = 	snop  }
0x4: {  	_ = 	snop  }
0x5: {  	_ = 	snop  }
0x6: {  	_ = 	snop  }
0x7: {  	_ = 	snop  }
__scs_overlays_trampoline_lowered:
0x8: {  	[smem:$0x3FAC] =	sst s0  }
0x9: {  	[smem:$0x3FAD] =	sst s1  }
0xa: {  	[smem:$0x3FAE] =	sst s2  }
0xb: {  	[smem:$0x3FAF] =	sst s3  }
0xc: {  	[smem:$0x3FB0] =	sst s4  }
0xd: {  	[smem:$0x3FB1] =	sst s5  }
0xe: {  	[smem:$0x3FB2] =	sst s6  }
0xf: {  	[smem:$0x3FB3] =	sst s7  }
0x10: {  	[smem:$0x3FB4] =	sst s8  }
0x11: {  	[smem:$0x3FB5] =	sst s9;
	s0 =	simm.s32 @!p0 $0x0  }
0x12: {  	s1 =	sld [smem:$0x3F9B];
	s0 =	simm.s32 @p0 $0x1  }
0x13: {  	[smem:$0x3FB6] =	sst s0;
	s0 =	simm.s32 @!p1 $0x0  }
0x14: {  	s2 =	sld [smem:$0x3F9A];
	s0 =	simm.s32 @p1 $0x1  }
0x15: {  	[smem:$0x3FB7] =	sst s0;
	s0 =	simm.s32 @!p2 $0x0  }
0x16: {  	s3 =	sld [smem:$0x3FDB];
	s0 =	simm.s32 @p2 $0x1  }
0x17: {  	s4 =	simm.s32 $0x1BF5;
	[smem:$0x3FB9] =	sst s0  }
0x18: {  	s0 =	sld [smem:$0x3F9C];
	_ =	swait.ge [sflag:s4], $0x0  }
0x19: {  	s7 =	sld [smem:$0x3F9D]  }
0x1a: {  	s8 =	sadd.s32 $0xFFFFE003, lr  }
0x1b: {  	s9 =	sadd.s32 $0xFFFFFEF7, lr;
	s5 =	simm.s32 $0xFFFFFFFF;
	p2 =	slt.u32 s8, $0xFFFFF086  }
0x1c: {  	p1 =	slt.u32 s9, $0xF7A;
	s5 =	simm.s32 @!p2 $0x0  }
0x1d: {  	s5 =	simm.s32 @p1 $0x1;
	p0 =	seq.s32 s7, s2  }
0x1e: {  	s7 =	smul.u32 @!p0 $0xF7A, s2;
	p2 =	seq.s32 @!p0 s5, $0x0  }
0x1f: {  	s9 =	smul.u32 $0xF7A, s1;
	s8 =	simm.s32 @!p0 $0x1BF5;
	p2 =	por !p2, p0  }
0x20: {  	[sflag:s8] =	ssyncset.s32 @!p0 $0xFFFFF086;
	s6 =	sadd.s32 @!p0 s3, s7;
	s7 =	simm.s32 @!p0 $0x108  }
0x21: {  	s3 =	sadd.s32 s3, s9;
	s6 =	sadd.s32 @!p0 $0x88, s6;
	s7 =	simm.s32 @p2 $0x1082  }
0x22: {  	[simem:s7], [sflag:s8] =	dma.local @!p0 [hbm:s6], $0xF7A  }
0x23: {  	s9 =	sor.u32 $0xD0000000, s2;
	s6 =	simm.s32 $0x108;
	_ =	swait.ge @!p0 [sflag:s8], $0x0  }
0x24: {  	s3 =	sadd.s32 $0x88, s3;
	s6 =	simm.s32 @!p1 $0x1082;
	[sflag:s4] =	ssyncset.s32 $0xFFFFF086  }
0x25: {  	[simem:s6], [sflag:s4] =	dma.local [hbm:s3], $0xF7A  }
0x26: {  	[smem:$0x3F9D] =	sst s1;
	(tag) =	ssettag s2;
	_ =	strace s9  }
0x27: {  	s1 =	sld [smem:$0x3FAD]  }
0x28: {  	s2 =	sld [smem:$0x3FAE]  }
0x29: {  	s4 =	sld [smem:$0x3FB0]  }
0x2a: {  	p0 =	seq.s32 s5, $0x0;
	s5 =	sld [smem:$0x3FB1]  }
0x2b: {  	s6 =	sld [smem:$0x3FB2]  }
0x2c: {  	s7 =	sld [smem:$0x3FB3]  }
0x2d: {  	s3 =	simm.s32 $0x108;
	s8 =	sld [smem:$0x3FB4]  }
0x2e: {  	s3 =	simm.s32 @!p0 $0x1082;
	s9 =	sld [smem:$0x3FB5]  }
0x2f: {  	lr =	sadd.s32 s0, s3;
	s0 =	sld [smem:$0x3FAC]  }
0x30: {  	s3 =	sld [smem:$0x3FAF]  }
0x31: {  	[smem:$0x3FB8] =	sst s10  }
0x32: {  	s10 =	sld [smem:$0x3FB6];
	_ =	sdelay $0x3  }
0x33: {  	p0 =	seq.s32 s10, $0x1;
	s10 =	sld [smem:$0x3FB8];
	_ =	sdelay $0x3  }
0x34: {  	[smem:$0x3FB8] =	sst s10  }
0x35: {  	s10 =	sld [smem:$0x3FB7];
	_ =	sdelay $0x3  }
0x36: {  	p1 =	seq.s32 s10, $0x1;
	s10 =	sld [smem:$0x3FB8];
	_ =	sdelay $0x3  }
0x37: {  	[smem:$0x3FB8] =	sst s10  }
0x38: {  	s10 =	sld [smem:$0x3FB9]  }
0x39: {  	_ = 	snop;
	(pc) =	sbr.ind lr, $3  }
0x3a: {  	_ = 	snop  }
0x3b: {  	_ = 	snop  }
0x3c: {  	p2 =	seq.s32 s10, $0x1;
	s10 =	sld [smem:$0x3FB8]  }
0x3d: {  	_ =	shalt  }
0x3e: {  	_ =	shalt  }
0x3f: {  	_ =	shalt  }
0x40: {  	_ =	shalt  }
0x41: {  	_ =	shalt  }
0x42: {  	_ =	shalt  }
0x43: {  	_ =	shalt  }
0x44: {  	_ =	shalt  }
0x45: {  	_ =	shalt  }
0x46: {  	_ =	shalt  }
0x47: {  	_ =	shalt  }
0x48: {  	_ =	shalt  }
0x49: {  	_ =	shalt  }
0x4a: {  	_ =	shalt  }
0x4b: {  	_ =	shalt  }
0x4c: {  	_ =	shalt  }
0x4d: {  	_ =	shalt  }
0x4e: {  	_ =	shalt  }
0x4f: {  	_ =	shalt  }
0x50: {  	_ =	shalt  }
0x51: {  	_ =	shalt  }
0x52: {  	_ =	shalt  }
0x53: {  	_ =	shalt  }
0x54: {  	_ =	shalt  }
0x55: {  	_ =	shalt  }
0x56: {  	_ =	shalt  }
0x57: {  	_ =	shalt  }
0x58: {  	_ =	shalt  }
0x59: {  	_ =	shalt  }
0x5a: {  	_ =	shalt  }
0x5b: {  	_ =	shalt  }
0x5c: {  	_ =	shalt  }
0x5d: {  	_ =	shalt  }
0x5e: {  	_ =	shalt  }
0x5f: {  	_ =	shalt  }
0x60: {  	_ =	shalt  }
0x61: {  	_ =	shalt  }
0x62: {  	_ =	shalt  }
0x63: {  	_ =	shalt  }
0x64: {  	_ =	shalt  }
0x65: {  	_ =	shalt  }
0x66: {  	_ =	shalt  }
0x67: {  	_ =	shalt  }
0x68: {  	_ =	shalt  }
0x69: {  	_ =	shalt  }
0x6a: {  	_ =	shalt  }
0x6b: {  	_ =	shalt  }
0x6c: {  	_ =	shalt  }
0x6d: {  	_ =	shalt  }
0x6e: {  	_ =	shalt  }
0x6f: {  	_ =	shalt  }
0x70: {  	_ =	shalt  }
0x71: {  	_ =	shalt  }
0x72: {  	_ =	shalt  }
0x73: {  	_ =	shalt  }
0x74: {  	_ =	shalt  }
0x75: {  	_ =	shalt  }
0x76: {  	_ =	shalt  }
0x77: {  	_ =	shalt  }
0x78: {  	_ =	shalt  }
0x79: {  	_ =	shalt  }
0x7a: {  	_ =	shalt  }
0x7b: {  	_ =	shalt  }
0x7c: {  	_ =	shalt  }
0x7d: {  	_ =	shalt  }
0x7e: {  	_ =	shalt  }
0x7f: {  	_ =	shalt  }
0x80: {  	_ =	shalt  }
0x81: {  	_ =	shalt  }
0x82: {  	_ =	shalt  }
0x83: {  	_ =	shalt  }
0x84: {  	_ =	shalt  }
0x85: {  	_ =	shalt  }
0x86: {  	_ =	shalt  }
0x87: {  	_ =	shalt  }
.Lfunc_end0:
.L_simem_size_0:
called_computation_lowered:
.L_overlay_start_0:
0x88: {  	s2 =	sld [smem:$0x3FD9]  }
0x89: {  	s3 =	sld [smem:$0x3FFE];
	_ =	sdelay $0x1  }
0x8a: {  	s1 =	srdreg.scid  }
0x8b: {  	s0 =	sand.u32 $0x1, s1  }
0x8c: {  	s17 =	sshll.u32 s0, $0xA;
	s2 =	sadd.s32 s3, s2  }
0x8d: {  	s2 =	sadd.s32 s2, s17  }
0x8e: {  	[smem:$0x3FC4] =	sst s2  }
0x8f: {  	_ = 	snop  }
0x90: {  	s2 =	sld [smem:$0x3FC8]  }
0x91: {  	s18 =	sld [smem:$0x3FD0];
	(tm) =	ssettm $0x1  }
0x92: {  	s4 =	sld [smem:$0x3FFB];
	_ =	sdelay $0x3  }
0x93: {  	_ =	strace s4  }
0x94: {  	s4 =	sld [smem:$0x3FFC];
	_ =	sdelay $0x3  }
0x95: {  	_ =	strace s4  }
0x96: {  	s4 =	sld [smem:$0x3FFD];
	_ =	sdelay $0x3  }
0x97: {  	_ =	strace s4  }
0x98: {  	_ =	strace $0x8FFFFFFF  }
0x99: {  	s19 =	sld [smem:$0x3FDB];
	_ =	sdelay $0x1  }
0x9a: {  	s5 =	simm.s32 $_scs_section_size  }
0x9b: {  	s6 =	simm.s32 $_size__tile_overlayer_lowered;
	s7 =	simm.s32 $_tile_overlayer_lowered  }
0x9c: {  	s22 =	simm.s32 $0x1BFF;
	s21 =	sshll.u32 s7, $0x1;
	s4 =	sadd.s32 s5, s19  }
0x9d: {  	s8 =	simm.s32 $0x0;
	s20 =	sshll.u32 s6, $0x1;
	s6 =	sadd.s32 s21, s4  }
0x9e: {  	[timem:s8], [sflag:s22] =	dma.local [hbm:s6], s20  }
0x9f: {  	_ =	swait.ge [sflag:s22], s20  }
0xa0: {  	s5 =	ssub.s32 $0x0, s20;
	[sflag:s22] =	ssyncset.done $0x0  }
0xa1: {  	[sflag:s22] =	ssyncadd.s32 s5;
	_ =	sdelay $0x1  }
0xa2: {  	s23 =	simm.s32 $0x1B8B  }
0xa3: {  	_ =	swait.ge [sflag:s23], $0x1  }
0xa4: {  	[sflag:s23] =	ssyncset.done $0x0  }
0xa5: {  	s25 =	simm.s32 $0x1B8E;
	s24 =	sld [smem:$0x3FFE];
	[sflag:s23] =	ssyncadd.s32 $0xFFFFFFFF  }
0xa6: {  	s26 =	simm.s32 $execute0_lowered;
	[smem:$0x3FD2] =	sst s25  }
0xa7: {  	s6 =	sshll.u32 s26, $0x1;
	_ =	strace $0x80000046;
	[dreg:$0x1] =	wrdreg $0xFFFFFFFF  }
0xa8: {  	s28 =	simm.s32 $_size_execute0_lowered;
	s4 =	sadd.s32 s4, s6;
	[dreg:$0x0] =	wrdreg $0x0  }
0xa9: {  	s6 =	sshll.u32 s28, $0x1;
	[dreg:$0x2] =	wrdreg s4  }
0xaa: {  	[dreg:$0x3] =	wrdreg s6  }
0xab: {  	[dreg:$0x4] =	wrdreg $0xC0  }
0xac: {  	_ =	task [dreg:s8], $0x5FFFF  }
0xad: {  	[dreg:$0x1] =	wrdreg $0xFFFFFFFF  }
0xae: {  	[dreg:$0x0] =	wrdreg $0x60  }
0xaf: {  	[dreg:$0x2] =	wrdreg s24  }
0xb0: {  	[dreg:$0x3] =	wrdreg s2  }
0xb1: {  	[dreg:$0x4] =	wrdreg s18  }
0xb2: {  	[dreg:$0x5] =	wrdreg $0x76800  }
0xb3: {  	[dreg:$0x6] =	wrdreg $0x9  }
0xb4: {  	_ =	task.clear_ibuf [dreg:s8], $0x7FFFF;
	_ =	strace $0x90000046  }
0xb5: {  	s29 =	simm.s32 $0x9;
	_ =	strace $0x80000048  }
0xb6: {  	_ =	swait.ge [sflag:s29], $0x1  }
0xb7: {  	[sflag:s29] =	ssyncadd.s32 $0xFFFFFFFF  }
0xb8: {  	_ =	strace $0x90000048  }
0xb9: {  	_ =	sfence  }
0xba: {  	s30 =	sld [smem:$0x0];
	_ =	sdelay $0x2  }
0xbb: {  	s31 =	sshll.u32 s1, $0xD;
	s1 =	sshrl.u32 s1, $0x2  }
0xbc: {  	s3 =	sand.u32 $0x4000, s31;
	s1 =	sadd.s32 s1, s30  }
0xbd: {  	s0 =	sor.u32 s3, s0;
	s1 =	sshll.u32 s1, $0x11  }
0xbe: {  	s0 =	sor.u32 s1, s0  }
0xbf: {  	s0 =	sadd.s32 $0x8F2B, s0  }
0xc0: {  	[sflag:s0] =	ssyncadd.remote.s32 $0x1  }
0xc1: {  	_ =	sfence.sel $0xFFFF  }
0xc2: {  	[dreg:$0x0] =	wrdreg $0xFFFFFFFF;
	(pc) =	sbr.abs _section_cstart, $3  }
0xc3: {  	[dreg:$0x1] =	wrdreg $0xFFFFFFFF  }
0xc4: {  	_ =	task.clear_ibuf [dreg:s8], $0x2FFFF;
	_ =	strace $0x9FFFFFFF  }
0xc5: {  	(tm) =	ssettm $0x7FFFFFFF  }
tec
execute0_lowered:
.L_overlay_start_1:
0x0: {  	(tag) =	ssettag $0x1  }
0x1: {  	s3 =	rddreg [dreg:$0x0]  }
0x2: {  	s5 =	rddreg [dreg:$0x1];
	s0 =	srdreg.scid  }
0x3: {  	s7 =	stileid.u32;
	s4 =	rddreg [dreg:$0x2]  }
0x4: {  	s1 =	rddreg [dreg:$0x3];
	s2 =	simm.s32 $0x0;
	s10 =	simm.s32 $0x1  }
0x5: {  	s11 =	simm.s32 $0x2;
	s12 =	simm.s32 $0x4F00;
	s13 =	simm.s32 $0x62B0  }
0x6: {  	s14 =	simm.s32 $0x3;
	s6 =	sand.u32 $0x1, s0;
	s31 =	sshll.u32 s7, $0x1  }
0x7: {  	s15 =	simm.s32 $0x0;
	s0 =	rddreg [dreg:$0x4];
	s8 =	sor.u32 s6, s31  }
0x8: {  	[smem:$0x7FF] =	sst s2;
	s6 =	ssub.s32 $0x2, s6;
	s8 =	smul.u32 $0x2710, s8  }
0x9: {  	s3 =	sadd.s32 $0xA00, s3;
	p0 =	sne.s32 s7, $0x0;
	s9 =	sshrl.u32 s6, $0x1  }
0xa: {  	_ =	strace $0x80000047;
	s9 =	ssub.s32 s6, s9;
	s8 =	sshrl.u32 s8, $0x3  }
0xb: {  	s7 =	smax.u32 s9, $0x1;
	s9 =	simm.s32 $0x2780;
	s4 =	sadd.s32 s4, s8  }
0xc: {  	s5 =	sadd.s32 s5, s8;
	s8 =	sshrl.u32 @!p0 s1, $0x3;
	s6 =	sadd.s32 $0x276, s4  }
.LBB2_1:
0xd: {  	[tilespmem:s2], [sflag:$0x1] =	stream.linear.gather [hbm4b:s5+s2], $0x2710, $0x38;
	[tilespmem:$0x78F8] =	vst v63  }
0xe: {  	s16 =	simm.s32 @!p0 $0x1C03  }
0xf: {  	[spmem:s8], [sflag:s16] =	dma.local @!p0 [hbm:s3], $0x4F0  }
0x10: {  	s16 =	simm.s32 @!p0 $0x3  }
0x11: {  	_ =	swait.ge @!p0 [sflag:s16], $0x4F0  }
0x12: {  	[sflag:s16] =	ssyncset.done @!p0 $0x0  }
0x13: {  	[sflag:s16] =	ssyncadd.s32 @!p0 $0xFFFFFB10  }
0x14: {  	[bflag:$0x0] =	sbarrier.arrive $0xFFFF  }
0x15: {  	[tilespmem:s9], [sflag:$0x2] =	stream.linear.gather [spmem:s1], $0x2780, $0x38;
	[tilespmem:$0x78F8] =	vst v63  }
0x16: {  	_ =	swait.ge [sflag:s10], $0x2710  }
0x17: {  	[sflag:s10] =	ssyncset.done $0x0  }
0x18: {  	[sflag:s10] =	ssyncadd.s32 $0xFFFFD8F0  }
0x19: {  	_ =	swait.ge [sflag:s11], $0x2780  }
0x1a: {  	[sflag:s11] =	ssyncset.done $0x0  }
0x1b: {  	s30 =	simm.s32 $0x20;
	[sflag:s11] =	ssyncadd.s32 $0xFFFFD880  }
0x1c: {  	v0 =	vld [tilespmem:s30+$0x20]  }
0x1d: {  	v1 =	vld [tilespmem:s30+$0xFFFFFFF0]  }
0x1e: {  	v2 =	vld [tilespmem:s30+$0x0]  }
0x1f: {  	v3 =	vld [tilespmem:s30+$0x10]  }
0x20: {  	s31 =	simm.s32 $0x70;
	v4 =	vld [tilespmem:s30+$0xFFFFFFE0]  }
0x21: {  	v10 =	vld [tilespmem:s31+$0x20]  }
0x22: {  	v11 =	vld [tilespmem:s31+$0xFFFFFFF0]  }
0x23: {  	v5 =	vld [tilespmem:s31+$0xFFFFFFE0]  }
0x24: {  	v8 =	vld.idx.msk [tilespmem:v0+s9+$0x0], $0xffff  }
0x25: {  	v9 =	vld.idx.msk [tilespmem:v1+s9+$0x0], $0xffff  }
0x26: {  	v1 =	vld [tilespmem:s31+$0x0]  }
0x27: {  	v0 =	vld [tilespmem:s31+$0x10]  }
0x28: {  	v7 =	vld.idx.msk [tilespmem:v4+s9+$0x0], $0xffff  }
0x29: {  	v6 =	vld.idx.msk [tilespmem:v2+s9+$0x0], $0xffff  }
0x2a: {  	s16 =	simm.s32 $0x4F20;
	v3 =	vld.idx.msk [tilespmem:v3+s9+$0x0], $0xffff  }
0x2b: {  	v2 =	vld.idx.msk [tilespmem:v10+s9+$0x0], $0xffff;
	[tilespmem:s16+$0x20] =	vst v8  }
0x2c: {  	s17 =	simm.s32 $0x50;
	s18 =	simm.s32 $0xC0;
	v4 =	vld.idx.msk [tilespmem:v11+s9+$0x0], $0xffff;
	[tilespmem:s16+$0xFFFFFFF0] =	vst v9  }
.LBB2_2:
0x2d: {  	v8 =	vld [tilespmem:s18+$0x20];
	s17 =	sadd.s32 $0x50, s17  }
0x2e: {  	v9 =	vld [tilespmem:s18+$0xFFFFFFF0];
	p1 =	slt.u32 s17, $0x1360;
	[tilespmem:s16+$0xFFFFFFE0] =	vst v7  }
0x2f: {  	v10 =	vld [tilespmem:s18+$0x0];
	[tilespmem:s16+$0x0] =	vst v6  }
0x30: {  	v11 =	vld [tilespmem:s18+$0x10];
	[tilespmem:s16+$0x10] =	vst v3;
	s16 =	sadd.s32 $0x50, s16  }
0x31: {  	v12 =	vld [tilespmem:s18+$0xFFFFFFE0];
	[tilespmem:s16+$0x20] =	vst v2  }
.Ltmp0:
0x32: {  	v7 =	vld.idx.msk [tilespmem:v5+s9+$0x0], $0xffff;
	[tilespmem:s16+$0xFFFFFFF0] =	vst v4;
	(pc) =	sbr.rel @p1 .LBB2_2-.Ltmp0, $4  }
0x33: {  	v6 =	vld.idx.msk [tilespmem:v1+s9+$0x0], $0xffff  }
0x34: {  	v3 =	vld.idx.msk [tilespmem:v0+s9+$0x0], $0xffff;
	v1 =	vmov v10  }
0x35: {  	v2 =	vld.idx.msk [tilespmem:v8+s9+$0x0], $0xffff;
	v0 =	vmov v11  }
0x36: {  	s18 =	sadd.s32 $0x50, s18;
	v4 =	vld.idx.msk [tilespmem:v9+s9+$0x0], $0xffff;
	v5 =	vmov v12  }
0x37: {  	_ =	sdelay $0x3  }
0x38: {  	[tilespmem:s16+$0xFFFFFFE0] =	vst v7;
	v5 =	vld.idx.msk [tilespmem:v5+s9+$0x0], $0xffff  }
0x39: {  	v1 =	vld.idx.msk [tilespmem:v1+s9+$0x0], $0xffff;
	[tilespmem:s16+$0x0] =	vst v6  }
0x3a: {  	s29 =	sadd.s32 $0x50, s16;
	v0 =	vld.idx.msk [tilespmem:v0+s9+$0x0], $0xffff;
	[tilespmem:s16+$0x10] =	vst v3  }
0x3b: {  	[tilespmem:s29+$0x20] =	vst v2  }
0x3c: {  	[tilespmem:s29+$0xFFFFFFF0] =	vst v4  }
0x3d: {  	[tilespmem:s29+$0xFFFFFFE0] =	vst v5  }
0x3e: {  	[tilespmem:s29+$0x0] =	vst v1  }
0x3f: {  	s30 =	simm.s32 $0x13F0;
	[tilespmem:s29+$0x10] =	vst v0  }
0x40: {  	[hbm4b:s4+s2] =	stream.linear.scatter [tilespmem:s12], [sflag:$0x1], $0x13B0, $0x38;
	[tilespmem:$0x78F8] =	vst v63  }
0x41: {  	v0 =	vld [tilespmem:s30+$0x0]  }
0x42: {  	v1 =	vld [tilespmem:s30+$0xFFFFFFD0]  }
0x43: {  	v2 =	vld [tilespmem:s30+$0xFFFFFFE0]  }
0x44: {  	v3 =	vld [tilespmem:s30+$0xFFFFFFF0]  }
0x45: {  	s31 =	simm.s32 $0x1440;
	v4 =	vld [tilespmem:s30+$0xFFFFFFC0]  }
0x46: {  	v10 =	vld [tilespmem:s31+$0x0]  }
0x47: {  	v11 =	vld [tilespmem:s31+$0xFFFFFFD0]  }
0x48: {  	v5 =	vld [tilespmem:s31+$0xFFFFFFC0]  }
0x49: {  	v8 =	vld.idx.msk [tilespmem:v0+s9+$0x0], $0xffff  }
0x4a: {  	v9 =	vld.idx.msk [tilespmem:v1+s9+$0x0], $0xffff  }
0x4b: {  	v1 =	vld [tilespmem:s31+$0xFFFFFFE0]  }
0x4c: {  	v0 =	vld [tilespmem:s31+$0xFFFFFFF0]  }
0x4d: {  	v7 =	vld.idx.msk [tilespmem:v4+s9+$0x0], $0xffff  }
0x4e: {  	v6 =	vld.idx.msk [tilespmem:v2+s9+$0x0], $0xffff  }
0x4f: {  	s16 =	simm.s32 $0x62F0;
	v3 =	vld.idx.msk [tilespmem:v3+s9+$0x0], $0xffff  }
0x50: {  	v2 =	vld.idx.msk [tilespmem:v10+s9+$0x0], $0xffff;
	[tilespmem:s16+$0x0] =	vst v8  }
0x51: {  	s17 =	simm.s32 $0x1400;
	s18 =	simm.s32 $0x1490;
	v4 =	vld.idx.msk [tilespmem:v11+s9+$0x0], $0xffff;
	[tilespmem:s16+$0xFFFFFFD0] =	vst v9  }
.LBB2_4:
0x52: {  	v8 =	vld [tilespmem:s18+$0x0];
	s17 =	sadd.s32 $0x50, s17  }
0x53: {  	v9 =	vld [tilespmem:s18+$0xFFFFFFD0];
	p1 =	slt.u32 s17, $0x26C0;
	[tilespmem:s16+$0xFFFFFFC0] =	vst v7  }
0x54: {  	v10 =	vld [tilespmem:s18+$0xFFFFFFE0];
	[tilespmem:s16+$0xFFFFFFE0] =	vst v6  }
0x55: {  	v11 =	vld [tilespmem:s18+$0xFFFFFFF0];
	[tilespmem:s16+$0xFFFFFFF0] =	vst v3;
	s16 =	sadd.s32 $0x50, s16  }
0x56: {  	v12 =	vld [tilespmem:s18+$0xFFFFFFC0];
	[tilespmem:s16+$0x0] =	vst v2  }
.Ltmp1:
0x57: {  	v7 =	vld.idx.msk [tilespmem:v5+s9+$0x0], $0xffff;
	[tilespmem:s16+$0xFFFFFFD0] =	vst v4;
	(pc) =	sbr.rel @p1 .LBB2_4-.Ltmp1, $4  }
0x58: {  	v6 =	vld.idx.msk [tilespmem:v1+s9+$0x0], $0xffff  }
0x59: {  	v3 =	vld.idx.msk [tilespmem:v0+s9+$0x0], $0xffff;
	v1 =	vmov v10  }
0x5a: {  	v2 =	vld.idx.msk [tilespmem:v8+s9+$0x0], $0xffff;
	v0 =	vmov v11  }
0x5b: {  	s18 =	sadd.s32 $0x50, s18;
	v4 =	vld.idx.msk [tilespmem:v9+s9+$0x0], $0xffff;
	v5 =	vmov v12  }
0x5c: {  	_ =	sdelay $0x3  }
0x5d: {  	[tilespmem:s16+$0xFFFFFFC0] =	vst v7;
	v5 =	vld.idx.msk [tilespmem:v5+s9+$0x0], $0xffff  }
0x5e: {  	v1 =	vld.idx.msk [tilespmem:v1+s9+$0x0], $0xffff;
	[tilespmem:s16+$0xFFFFFFE0] =	vst v6  }
0x5f: {  	s31 =	sadd.s32 $0x50, s16;
	v0 =	vld.idx.msk [tilespmem:v0+s9+$0x0], $0xffff;
	[tilespmem:s16+$0xFFFFFFF0] =	vst v3  }
0x60: {  	[tilespmem:s31+$0x0] =	vst v2  }
0x61: {  	[tilespmem:s31+$0xFFFFFFD0] =	vst v4  }
0x62: {  	[tilespmem:s31+$0xFFFFFFC0] =	vst v5  }
0x63: {  	[tilespmem:s31+$0xFFFFFFE0] =	vst v1  }
0x64: {  	s15 =	sadd.s32 $0x1, s15;
	[tilespmem:s31+$0xFFFFFFF0] =	vst v0  }
0x65: {  	[hbm4b:s6+s2] =	stream.linear.scatter [tilespmem:s13], [sflag:$0x3], $0x1360, $0x38;
	[tilespmem:$0x78F8] =	vst v63  }
0x66: {  	p1 =	sne.s32 s15, s7;
	_ =	swait.ge [sflag:s14], $0x1360  }
.Ltmp2:
0x67: {  	[sflag:s14] =	ssyncset.done $0x0;
	(pc) =	sbr.rel @p1 .LBB2_1-.Ltmp2, $4  }
0x68: {  	[sflag:s14] =	ssyncadd.s32 $0xFFFFECA0  }
0x69: {  	_ =	swait.ge [sflag:s10], $0x13B0  }
0x6a: {  	[sflag:s10] =	ssyncset.done $0x0  }
0x6b: {  	[sflag:s10] =	ssyncadd.s32 $0xFFFFEC50  }
0x6c: {  	_ =	sfence.sel $0x180000  }
0x6d: {  	[bflag:$0x0] =	sbarrier.arrive $0xFFFF  }
0x6e: {  	_ =	strace $0x90000047  }
0x6f: {  	s0 =	sadd.s32 @!p0 $0x100000, s0;
	[bflag:$0x2] =	sbarrier.arrive $0xFFFF  }
0x70: {  	[sflag:s0] =	ssyncadd.tile.s32 @!p0 $0x1;
	_ =	shalt  }
.Lfunc_end2:
_tile_overlayer_lowered:
.L_overlay_start_2:
0x71: {  	(tag) =	ssettag $0x2  }
0x72: {  	s0 =	rddreg [dreg:$0x0];
	s2 =	stileid.u32  }
0x73: {  	s1 =	rddreg [dreg:$0x1];
	p0 =	sne.s32 s2, $0x0  }
0x74: {  	s3 =	rddreg [dreg:$0x2];
	[bflag:$0x3] =	sbarrier.arrive $0xFFFF;
	s2 =	simm.s32 @!p0 $0x1C03  }
0x75: {  	[timem:s3], [sflag:s2] =	dma.local @!p0 [hbm:s0], s1  }
0x76: {  	s0 =	simm.s32 @!p0 $0x3  }
0x77: {  	_ =	swait.ge @!p0 [sflag:s0], s1  }
0x78: {  	s1 =	ssub.s32 @!p0 $0x0, s1;
	[sflag:s0] =	ssyncset.done @!p0 $0x0  }
0x79: {  	[sflag:s0] =	ssyncadd.s32 @!p0 s1  }
0x7a: {  	[bflag:$0x3] =	sbarrier.arrive $0xFFFF  }
0x7b: {  	_ =	shalt  }

</sc_bundles>
